<compile_context>
chip_gen: v7x
topology: tpu7x:2x2x1
jax: 0.10.2.dev20260603
libtpu: 0.0.44.dev20260713+nightly
codegen_flags: <defaults>
</compile_context>

<pallas_src>
import functools

import jax
import jax.numpy as jnp
from jax import lax
from jax.experimental import pallas as pl
from jax.experimental.pallas import tpu as pltpu
from jax.experimental.pallas import tpu_sc as plsc

N, K, D = 10000, 32, 128
NW = 32
PER_W = 320
N_PAD = NW * PER_W
INV_K = 1.0 / K
C = 2
RING = 4
CHUNKS = PER_W // C


def _node_mean(slab, u, out_v, row):
    for j in range(D // 16):
        s = pl.ds(j * 16, 16)
        vals = [slab[u * K + r, s] for r in range(K)]
        while len(vals) > 1:
            vals = [vals[a] + vals[a + 1] for a in range(0, len(vals), 2)]
        out_v[row, s] = vals[0] * INV_K


def _sc_mean_body(nx, out, slab0, slab1, slab2, slab3, out_v,
                  sem0, sem1, sem2, sem3):
    slabs = (slab0, slab1, slab2, slab3)
    sems = (sem0, sem1, sem2, sem3)
    w = lax.axis_index("s") * 2 + lax.axis_index("c")
    base = w * PER_W

    def chunk_rows(c):
        g = jnp.minimum(base + C * c, N - C)
        return pl.ds(g * K, C * K)

    for s in range(RING - 1):
        pltpu.async_copy(nx.at[chunk_rows(s)], slabs[s], sems[s])

    def body(t, carry):
        for sub in range(RING):
            c = RING * t + sub
            pltpu.make_async_copy(nx.at[chunk_rows(c)], slabs[sub],
                                  sems[sub]).wait()
            nxt = jnp.minimum(c + RING - 1, CHUNKS - 1)
            nslot = (sub + RING - 1) % RING
            pltpu.async_copy(nx.at[chunk_rows(nxt)], slabs[nslot], sems[nslot])
        return carry

    lax.fori_loop(0, CHUNKS // RING, body, 0)
    for s in range(RING - 1):
        pltpu.make_async_copy(nx.at[chunk_rows(0)], slabs[s], sems[s]).wait()
    pltpu.sync_copy(out_v.at[pl.ds(0, PER_W)], out.at[pl.ds(base, PER_W)])


def _sc_mean(neigh_flat):
    mesh = plsc.VectorSubcoreMesh(core_axis_name="c", subcore_axis_name="s")
    f = functools.partial(
        pl.kernel,
        mesh=mesh,
        out_type=jax.ShapeDtypeStruct((N_PAD, D), jnp.float32),
        scratch_types=[
            pltpu.VMEM((C * K, D), jnp.float32),
            pltpu.VMEM((C * K, D), jnp.float32),
            pltpu.VMEM((C * K, D), jnp.float32),
            pltpu.VMEM((C * K, D), jnp.float32),
            pltpu.VMEM((PER_W, D), jnp.float32),
            pltpu.SemaphoreType.DMA,
            pltpu.SemaphoreType.DMA,
            pltpu.SemaphoreType.DMA,
            pltpu.SemaphoreType.DMA,
        ],
    )(_sc_mean_body)
    return f(neigh_flat)


def _tc_body(x_ref, m_ref, wl_ref, wr_ref, b_ref, o_ref):
    o_ref[...] = (
        jnp.dot(x_ref[...], wl_ref[...], preferred_element_type=jnp.float32)
        + jnp.dot(m_ref[...], wr_ref[...], preferred_element_type=jnp.float32)
        + b_ref[...]
    )


def kernel(x, neigh_x, W_l, b_l, W_r, b_r):
    n, k, d_in = neigh_x.shape
    d_out = W_l.shape[0]
    mean_pad = _sc_mean(neigh_x.reshape(n * k, d_in))

    block = 1000
    grid = (n // block,)
    out = pl.pallas_call(
        _tc_body,
        grid=grid,
        in_specs=[
            pl.BlockSpec((block, d_in), lambda i: (i, 0)),
            pl.BlockSpec((block, d_in), lambda i: (i, 0)),
            pl.BlockSpec((d_in, d_out), lambda i: (0, 0)),
            pl.BlockSpec((d_in, d_out), lambda i: (0, 0)),
            pl.BlockSpec((1, d_out), lambda i: (0, 0)),
        ],
        out_specs=pl.BlockSpec((block, d_out), lambda i: (i, 0)),
        out_shape=jax.ShapeDtypeStruct((n, d_out), jnp.float32),
        compiler_params=pltpu.CompilerParams(
            dimension_semantics=("arbitrary",),
        ),
    )(x, mean_pad, W_l.T, W_r.T, (b_l + b_r).reshape(1, d_out))
    return out

# --- scband reference (transcript-rebuilt; emitter-appended) ---
"""Pipeline reference for scband-sageconv-26465588478202 (READ-ONLY COPY).

The authoritative reference and input builder live on the scoring server;
editing this copy changes nothing except your own understanding.
"""

import jax, jax.numpy as jnp
import numpy as np

N, K, D_IN, D_OUT = 10000, 32, 128, 128

def setup_inputs(seed: int = 0) -> dict:
    key = jax.random.key(seed)
    ks = jax.random.split(key, 6)
    x = jax.random.normal(ks[0], (N, D_IN), dtype=jnp.float32)
    neigh_x = jax.random.normal(ks[1], (N, K, D_IN), dtype=jnp.float32)
    s = 1.0 / np.sqrt(D_IN)
    W_l = jax.random.uniform(ks[2], (D_OUT, D_IN), dtype=jnp.float32, minval=-s, maxval=s)
    b_l = jax.random.uniform(ks[3], (D_OUT,), dtype=jnp.float32, minval=-s, maxval=s)
    W_r = jax.random.uniform(ks[4], (D_OUT, D_IN), dtype=jnp.float32, minval=-s, maxval=s)
    b_r = jax.random.uniform(ks[5], (D_OUT,), dtype=jnp.float32, minval=-s, maxval=s)
    return {"x": x, "neigh_x": neigh_x, "W_l": W_l, "b_l": b_l, "W_r": W_r, "b_r": b_r}

def reference(x, neigh_x, W_l, b_l, W_r, b_r):
    # neigh_x: [N, K, d] -> mean over neighbor axis
    neigh = jnp.mean(neigh_x, axis=1)
    out_l = x @ W_l.T + b_l
    out_r = neigh @ W_r.T + b_r
    # concat=False -> sum
    return out_l + out_r

if __name__ == "__main__":
    import jax
    _d = setup_inputs()
    print(jax.jit(kernel)(*tuple(_d.values())))

</pallas_src>

<mosaic_0001>
#map = affine_map<(d0, d1) -> (0, 0)>
module attributes {stable_mosaic.version = 14 : i64} {
  func.func @_sc_mean_body(%arg0: i32, %arg1: i32, %arg2: memref<320000x128xf32, #tpu.memory_space<hbm>>, %arg3: memref<10240x128xf32, #tpu.memory_space<hbm>>, %arg4: memref<64x128xf32, #tpu.memory_space<vmem>>, %arg5: memref<64x128xf32, #tpu.memory_space<vmem>>, %arg6: memref<64x128xf32, #tpu.memory_space<vmem>>, %arg7: memref<64x128xf32, #tpu.memory_space<vmem>>, %arg8: memref<320x128xf32, #tpu.memory_space<vmem>>, %arg9: memref<!tpu.dma_semaphore, #tpu.memory_space<semaphore_mem>>, %arg10: memref<!tpu.dma_semaphore, #tpu.memory_space<semaphore_mem>>, %arg11: memref<!tpu.dma_semaphore, #tpu.memory_space<semaphore_mem>>, %arg12: memref<!tpu.dma_semaphore, #tpu.memory_space<semaphore_mem>>) attributes {dimension_semantics = [#tpu.dimension_semantics<core_parallel>, #tpu.dimension_semantics<subcore_parallel>], iteration_bounds = array<i64: 2, 16>, scalar_prefetch = 0 : i64, scratch_operands = 9 : i64, tpu.core_type = #tpu.core_type<sc_vector_subcore>, window_params = [{transform_indices = #map}, {transform_indices = #map}]} {
    %mul3A = arith.constant 2 : i32
    %mul3A_0 = arith.muli %arg1, %mul3A : i32
    %add3A = arith.addi %mul3A_0, %arg0 : i32
    %mul3A_1 = arith.constant 320 : i32
    %mul3A_2 = arith.muli %add3A, %mul3A_1 : i32
    %add3A_3 = arith.constant 0 : i32
    %add3A_4 = arith.addi %mul3A_2, %add3A_3 : i32
    %min3A = arith.constant 9998 : i32
    %min3A_5 = arith.minsi %add3A_4, %min3A : i32
    %mul3A_6 = arith.constant 32 : i32
    %mul3A_7 = arith.muli %min3A_5, %mul3A_6 : i32
    %dma_start3A = arith.constant 0 : i32
    %dma_start3A_8 = tpu.memref_slice %arg2[%mul3A_7, %dma_start3A] : memref<320000x128xf32, #tpu.memory_space<hbm>> -> memref<64x128xf32, #tpu.memory_space<hbm>>
    %dma_start3A_9 = arith.constant 0 : i32
    %dma_start3A_10 = tpu.memref_slice %arg2[%mul3A_7, %dma_start3A_9] : memref<320000x128xf32, #tpu.memory_space<hbm>> -> memref<64x128xf32, #tpu.memory_space<hbm>>
    tpu.enqueue_dma source(%dma_start3A_10 : memref<64x128xf32, #tpu.memory_space<hbm>>) target(%arg4 : memref<64x128xf32, #tpu.memory_space<vmem>>) target_semaphore(%arg9 : memref<!tpu.dma_semaphore, #tpu.memory_space<semaphore_mem>>)
    %add3A_11 = arith.constant 2 : i32
    %add3A_12 = arith.addi %mul3A_2, %add3A_11 : i32
    %min3A_13 = arith.constant 9998 : i32
    %min3A_14 = arith.minsi %add3A_12, %min3A_13 : i32
    %mul3A_15 = arith.constant 32 : i32
    %mul3A_16 = arith.muli %min3A_14, %mul3A_15 : i32
    %dma_start3A_17 = arith.constant 0 : i32
    %dma_start3A_18 = tpu.memref_slice %arg2[%mul3A_16, %dma_start3A_17] : memref<320000x128xf32, #tpu.memory_space<hbm>> -> memref<64x128xf32, #tpu.memory_space<hbm>>
    %dma_start3A_19 = arith.constant 0 : i32
    %dma_start3A_20 = tpu.memref_slice %arg2[%mul3A_16, %dma_start3A_19] : memref<320000x128xf32, #tpu.memory_space<hbm>> -> memref<64x128xf32, #tpu.memory_space<hbm>>
    tpu.enqueue_dma source(%dma_start3A_20 : memref<64x128xf32, #tpu.memory_space<hbm>>) target(%arg5 : memref<64x128xf32, #tpu.memory_space<vmem>>) target_semaphore(%arg10 : memref<!tpu.dma_semaphore, #tpu.memory_space<semaphore_mem>>)
    %add3A_21 = arith.constant 4 : i32
    %add3A_22 = arith.addi %mul3A_2, %add3A_21 : i32
    %min3A_23 = arith.constant 9998 : i32
    %min3A_24 = arith.minsi %add3A_22, %min3A_23 : i32
    %mul3A_25 = arith.constant 32 : i32
    %mul3A_26 = arith.muli %min3A_24, %mul3A_25 : i32
    %dma_start3A_27 = arith.constant 0 : i32
    %dma_start3A_28 = tpu.memref_slice %arg2[%mul3A_26, %dma_start3A_27] : memref<320000x128xf32, #tpu.memory_space<hbm>> -> memref<64x128xf32, #tpu.memory_space<hbm>>
    %dma_start3A_29 = arith.constant 0 : i32
    %dma_start3A_30 = tpu.memref_slice %arg2[%mul3A_26, %dma_start3A_29] : memref<320000x128xf32, #tpu.memory_space<hbm>> -> memref<64x128xf32, #tpu.memory_space<hbm>>
    tpu.enqueue_dma source(%dma_start3A_30 : memref<64x128xf32, #tpu.memory_space<hbm>>) target(%arg6 : memref<64x128xf32, #tpu.memory_space<vmem>>) target_semaphore(%arg11 : memref<!tpu.dma_semaphore, #tpu.memory_space<semaphore_mem>>)
    %scan3A = arith.constant 0 : i32
    %scan3A_31 = arith.constant 0 : i32
    %scan3A_32 = arith.constant 40 : i32
    %scan3A_33 = arith.addi %scan3A_31, %scan3A_32 : i32
    %scan3A_34 = arith.constant 1 : i32
    scf.for %scan3A_65 = %scan3A_31 to %scan3A_33 step %scan3A_34  : i32 {
      %mul3A_66 = arith.constant 4 : i32
      %mul3A_67 = arith.muli %mul3A_66, %scan3A_65 : i32
      %add3A_68 = arith.constant 0 : i32
      %add3A_69 = arith.addi %mul3A_67, %add3A_68 : i32
      %mul3A_70 = arith.constant 2 : i32
      %mul3A_71 = arith.muli %mul3A_70, %add3A_69 : i32
      %add3A_72 = arith.addi %mul3A_2, %mul3A_71 : i32
      %min3A_73 = arith.constant 9998 : i32
      %min3A_74 = arith.minsi %add3A_72, %min3A_73 : i32
      %mul3A_75 = arith.constant 32 : i32
      %mul3A_76 = arith.muli %min3A_74, %mul3A_75 : i32
      %dma_wait3A_77 = arith.constant 0 : i32
      %dma_wait3A_78 = tpu.memref_slice %arg2[%mul3A_76, %dma_wait3A_77] : memref<320000x128xf32, #tpu.memory_space<hbm>> -> memref<64x128xf32, #tpu.memory_space<hbm>>
      %dma_wait3A_79 = arith.constant 0 : i32
      %dma_wait3A_80 = tpu.memref_slice %arg2[%mul3A_76, %dma_wait3A_79] : memref<320000x128xf32, #tpu.memory_space<hbm>> -> memref<64x128xf32, #tpu.memory_space<hbm>>
      tpu.wait_dma2 semaphore(%arg9 : memref<!tpu.dma_semaphore, #tpu.memory_space<semaphore_mem>>) src(%dma_wait3A_80 : memref<64x128xf32, #tpu.memory_space<hbm>>) dst(%arg4 : memref<64x128xf32, #tpu.memory_space<vmem>>)
      %add3A_81 = arith.constant 4 : i32
      %add3A_82 = arith.addi %add3A_69, %add3A_81 : i32
      %sub3A = arith.constant 1 : i32
      %sub3A_83 = arith.subi %add3A_82, %sub3A : i32
      %min3A_84 = arith.constant 159 : i32
      %min3A_85 = arith.minsi %sub3A_83, %min3A_84 : i32
      %mul3A_86 = arith.constant 2 : i32
      %mul3A_87 = arith.muli %mul3A_86, %min3A_85 : i32
      %add3A_88 = arith.addi %mul3A_2, %mul3A_87 : i32
      %min3A_89 = arith.constant 9998 : i32
      %min3A_90 = arith.minsi %add3A_88, %min3A_89 : i32
      %mul3A_91 = arith.constant 32 : i32
      %mul3A_92 = arith.muli %min3A_90, %mul3A_91 : i32
      %dma_start3A_93 = arith.constant 0 : i32
      %dma_start3A_94 = tpu.memref_slice %arg2[%mul3A_92, %dma_start3A_93] : memref<320000x128xf32, #tpu.memory_space<hbm>> -> memref<64x128xf32, #tpu.memory_space<hbm>>
      %dma_start3A_95 = arith.constant 0 : i32
      %dma_start3A_96 = tpu.memref_slice %arg2[%mul3A_92, %dma_start3A_95] : memref<320000x128xf32, #tpu.memory_space<hbm>> -> memref<64x128xf32, #tpu.memory_space<hbm>>
      tpu.enqueue_dma source(%dma_start3A_96 : memref<64x128xf32, #tpu.memory_space<hbm>>) target(%arg7 : memref<64x128xf32, #tpu.memory_space<vmem>>) target_semaphore(%arg12 : memref<!tpu.dma_semaphore, #tpu.memory_space<semaphore_mem>>)
      %mul3A_97 = arith.constant 4 : i32
      %mul3A_98 = arith.muli %mul3A_97, %scan3A_65 : i32
      %add3A_99 = arith.constant 1 : i32
      %add3A_100 = arith.addi %mul3A_98, %add3A_99 : i32
      %mul3A_101 = arith.constant 2 : i32
      %mul3A_102 = arith.muli %mul3A_101, %add3A_100 : i32
      %add3A_103 = arith.addi %mul3A_2, %mul3A_102 : i32
      %min3A_104 = arith.constant 9998 : i32
      %min3A_105 = arith.minsi %add3A_103, %min3A_104 : i32
      %mul3A_106 = arith.constant 32 : i32
      %mul3A_107 = arith.muli %min3A_105, %mul3A_106 : i32
      %dma_wait3A_108 = arith.constant 0 : i32
      %dma_wait3A_109 = tpu.memref_slice %arg2[%mul3A_107, %dma_wait3A_108] : memref<320000x128xf32, #tpu.memory_space<hbm>> -> memref<64x128xf32, #tpu.memory_space<hbm>>
      %dma_wait3A_110 = arith.constant 0 : i32
      %dma_wait3A_111 = tpu.memref_slice %arg2[%mul3A_107, %dma_wait3A_110] : memref<320000x128xf32, #tpu.memory_space<hbm>> -> memref<64x128xf32, #tpu.memory_space<hbm>>
      tpu.wait_dma2 semaphore(%arg10 : memref<!tpu.dma_semaphore, #tpu.memory_space<semaphore_mem>>) src(%dma_wait3A_111 : memref<64x128xf32, #tpu.memory_space<hbm>>) dst(%arg5 : memref<64x128xf32, #tpu.memory_space<vmem>>)
      %add3A_112 = arith.constant 4 : i32
      %add3A_113 = arith.addi %add3A_100, %add3A_112 : i32
      %sub3A_114 = arith.constant 1 : i32
      %sub3A_115 = arith.subi %add3A_113, %sub3A_114 : i32
      %min3A_116 = arith.constant 159 : i32
      %min3A_117 = arith.minsi %sub3A_115, %min3A_116 : i32
      %mul3A_118 = arith.constant 2 : i32
      %mul3A_119 = arith.muli %mul3A_118, %min3A_117 : i32
      %add3A_120 = arith.addi %mul3A_2, %mul3A_119 : i32
      %min3A_121 = arith.constant 9998 : i32
      %min3A_122 = arith.minsi %add3A_120, %min3A_121 : i32
      %mul3A_123 = arith.constant 32 : i32
      %mul3A_124 = arith.muli %min3A_122, %mul3A_123 : i32
      %dma_start3A_125 = arith.constant 0 : i32
      %dma_start3A_126 = tpu.memref_slice %arg2[%mul3A_124, %dma_start3A_125] : memref<320000x128xf32, #tpu.memory_space<hbm>> -> memref<64x128xf32, #tpu.memory_space<hbm>>
      %dma_start3A_127 = arith.constant 0 : i32
      %dma_start3A_128 = tpu.memref_slice %arg2[%mul3A_124, %dma_start3A_127] : memref<320000x128xf32, #tpu.memory_space<hbm>> -> memref<64x128xf32, #tpu.memory_space<hbm>>
      tpu.enqueue_dma source(%dma_start3A_128 : memref<64x128xf32, #tpu.memory_space<hbm>>) target(%arg4 : memref<64x128xf32, #tpu.memory_space<vmem>>) target_semaphore(%arg9 : memref<!tpu.dma_semaphore, #tpu.memory_space<semaphore_mem>>)
      %mul3A_129 = arith.constant 4 : i32
      %mul3A_130 = arith.muli %mul3A_129, %scan3A_65 : i32
      %add3A_131 = arith.constant 2 : i32
      %add3A_132 = arith.addi %mul3A_130, %add3A_131 : i32
      %mul3A_133 = arith.constant 2 : i32
      %mul3A_134 = arith.muli %mul3A_133, %add3A_132 : i32
      %add3A_135 = arith.addi %mul3A_2, %mul3A_134 : i32
      %min3A_136 = arith.constant 9998 : i32
      %min3A_137 = arith.minsi %add3A_135, %min3A_136 : i32
      %mul3A_138 = arith.constant 32 : i32
      %mul3A_139 = arith.muli %min3A_137, %mul3A_138 : i32
      %dma_wait3A_140 = arith.constant 0 : i32
      %dma_wait3A_141 = tpu.memref_slice %arg2[%mul3A_139, %dma_wait3A_140] : memref<320000x128xf32, #tpu.memory_space<hbm>> -> memref<64x128xf32, #tpu.memory_space<hbm>>
      %dma_wait3A_142 = arith.constant 0 : i32
      %dma_wait3A_143 = tpu.memref_slice %arg2[%mul3A_139, %dma_wait3A_142] : memref<320000x128xf32, #tpu.memory_space<hbm>> -> memref<64x128xf32, #tpu.memory_space<hbm>>
      tpu.wait_dma2 semaphore(%arg11 : memref<!tpu.dma_semaphore, #tpu.memory_space<semaphore_mem>>) src(%dma_wait3A_143 : memref<64x128xf32, #tpu.memory_space<hbm>>) dst(%arg6 : memref<64x128xf32, #tpu.memory_space<vmem>>)
      %add3A_144 = arith.constant 4 : i32
      %add3A_145 = arith.addi %add3A_132, %add3A_144 : i32
      %sub3A_146 = arith.constant 1 : i32
      %sub3A_147 = arith.subi %add3A_145, %sub3A_146 : i32
      %min3A_148 = arith.constant 159 : i32
      %min3A_149 = arith.minsi %sub3A_147, %min3A_148 : i32
      %mul3A_150 = arith.constant 2 : i32
      %mul3A_151 = arith.muli %mul3A_150, %min3A_149 : i32
      %add3A_152 = arith.addi %mul3A_2, %mul3A_151 : i32
      %min3A_153 = arith.constant 9998 : i32
      %min3A_154 = arith.minsi %add3A_152, %min3A_153 : i32
      %mul3A_155 = arith.constant 32 : i32
      %mul3A_156 = arith.muli %min3A_154, %mul3A_155 : i32
      %dma_start3A_157 = arith.constant 0 : i32
      %dma_start3A_158 = tpu.memref_slice %arg2[%mul3A_156, %dma_start3A_157] : memref<320000x128xf32, #tpu.memory_space<hbm>> -> memref<64x128xf32, #tpu.memory_space<hbm>>
      %dma_start3A_159 = arith.constant 0 : i32
      %dma_start3A_160 = tpu.memref_slice %arg2[%mul3A_156, %dma_start3A_159] : memref<320000x128xf32, #tpu.memory_space<hbm>> -> memref<64x128xf32, #tpu.memory_space<hbm>>
      tpu.enqueue_dma source(%dma_start3A_160 : memref<64x128xf32, #tpu.memory_space<hbm>>) target(%arg5 : memref<64x128xf32, #tpu.memory_space<vmem>>) target_semaphore(%arg10 : memref<!tpu.dma_semaphore, #tpu.memory_space<semaphore_mem>>)
      %mul3A_161 = arith.constant 4 : i32
      %mul3A_162 = arith.muli %mul3A_161, %scan3A_65 : i32
      %add3A_163 = arith.constant 3 : i32
      %add3A_164 = arith.addi %mul3A_162, %add3A_163 : i32
      %mul3A_165 = arith.constant 2 : i32
      %mul3A_166 = arith.muli %mul3A_165, %add3A_164 : i32
      %add3A_167 = arith.addi %mul3A_2, %mul3A_166 : i32
      %min3A_168 = arith.constant 9998 : i32
      %min3A_169 = arith.minsi %add3A_167, %min3A_168 : i32
      %mul3A_170 = arith.constant 32 : i32
      %mul3A_171 = arith.muli %min3A_169, %mul3A_170 : i32
      %dma_wait3A_172 = arith.constant 0 : i32
      %dma_wait3A_173 = tpu.memref_slice %arg2[%mul3A_171, %dma_wait3A_172] : memref<320000x128xf32, #tpu.memory_space<hbm>> -> memref<64x128xf32, #tpu.memory_space<hbm>>
      %dma_wait3A_174 = arith.constant 0 : i32
      %dma_wait3A_175 = tpu.memref_slice %arg2[%mul3A_171, %dma_wait3A_174] : memref<320000x128xf32, #tpu.memory_space<hbm>> -> memref<64x128xf32, #tpu.memory_space<hbm>>
      tpu.wait_dma2 semaphore(%arg12 : memref<!tpu.dma_semaphore, #tpu.memory_space<semaphore_mem>>) src(%dma_wait3A_175 : memref<64x128xf32, #tpu.memory_space<hbm>>) dst(%arg7 : memref<64x128xf32, #tpu.memory_space<vmem>>)
      %add3A_176 = arith.constant 4 : i32
      %add3A_177 = arith.addi %add3A_164, %add3A_176 : i32
      %sub3A_178 = arith.constant 1 : i32
      %sub3A_179 = arith.subi %add3A_177, %sub3A_178 : i32
      %min3A_180 = arith.constant 159 : i32
      %min3A_181 = arith.minsi %sub3A_179, %min3A_180 : i32
      %mul3A_182 = arith.constant 2 : i32
      %mul3A_183 = arith.muli %mul3A_182, %min3A_181 : i32
      %add3A_184 = arith.addi %mul3A_2, %mul3A_183 : i32
      %min3A_185 = arith.constant 9998 : i32
      %min3A_186 = arith.minsi %add3A_184, %min3A_185 : i32
      %mul3A_187 = arith.constant 32 : i32
      %mul3A_188 = arith.muli %min3A_186, %mul3A_187 : i32
      %dma_start3A_189 = arith.constant 0 : i32
      %dma_start3A_190 = tpu.memref_slice %arg2[%mul3A_188, %dma_start3A_189] : memref<320000x128xf32, #tpu.memory_space<hbm>> -> memref<64x128xf32, #tpu.memory_space<hbm>>
      %dma_start3A_191 = arith.constant 0 : i32
      %dma_start3A_192 = tpu.memref_slice %arg2[%mul3A_188, %dma_start3A_191] : memref<320000x128xf32, #tpu.memory_space<hbm>> -> memref<64x128xf32, #tpu.memory_space<hbm>>
      tpu.enqueue_dma source(%dma_start3A_192 : memref<64x128xf32, #tpu.memory_space<hbm>>) target(%arg6 : memref<64x128xf32, #tpu.memory_space<vmem>>) target_semaphore(%arg11 : memref<!tpu.dma_semaphore, #tpu.memory_space<semaphore_mem>>)
    }
    %scan3A_35 = arith.constant 40 : i32
    %add3A_36 = arith.constant 0 : i32
    %add3A_37 = arith.addi %mul3A_2, %add3A_36 : i32
    %min3A_38 = arith.constant 9998 : i32
    %min3A_39 = arith.minsi %add3A_37, %min3A_38 : i32
    %mul3A_40 = arith.constant 32 : i32
    %mul3A_41 = arith.muli %min3A_39, %mul3A_40 : i32
    %dma_wait3A = arith.constant 0 : i32
    %dma_wait3A_42 = tpu.memref_slice %arg2[%mul3A_41, %dma_wait3A] : memref<320000x128xf32, #tpu.memory_space<hbm>> -> memref<64x128xf32, #tpu.memory_space<hbm>>
    %dma_wait3A_43 = arith.constant 0 : i32
    %dma_wait3A_44 = tpu.memref_slice %arg2[%mul3A_41, %dma_wait3A_43] : memref<320000x128xf32, #tpu.memory_space<hbm>> -> memref<64x128xf32, #tpu.memory_space<hbm>>
    tpu.wait_dma2 semaphore(%arg9 : memref<!tpu.dma_semaphore, #tpu.memory_space<semaphore_mem>>) src(%dma_wait3A_44 : memref<64x128xf32, #tpu.memory_space<hbm>>) dst(%arg4 : memref<64x128xf32, #tpu.memory_space<vmem>>)
    %add3A_45 = arith.constant 0 : i32
    %add3A_46 = arith.addi %mul3A_2, %add3A_45 : i32
    %min3A_47 = arith.constant 9998 : i32
    %min3A_48 = arith.minsi %add3A_46, %min3A_47 : i32
    %mul3A_49 = arith.constant 32 : i32
    %mul3A_50 = arith.muli %min3A_48, %mul3A_49 : i32
    %dma_wait3A_51 = arith.constant 0 : i32
    %dma_wait3A_52 = tpu.memref_slice %arg2[%mul3A_50, %dma_wait3A_51] : memref<320000x128xf32, #tpu.memory_space<hbm>> -> memref<64x128xf32, #tpu.memory_space<hbm>>
    %dma_wait3A_53 = arith.constant 0 : i32
    %dma_wait3A_54 = tpu.memref_slice %arg2[%mul3A_50, %dma_wait3A_53] : memref<320000x128xf32, #tpu.memory_space<hbm>> -> memref<64x128xf32, #tpu.memory_space<hbm>>
    tpu.wait_dma2 semaphore(%arg10 : memref<!tpu.dma_semaphore, #tpu.memory_space<semaphore_mem>>) src(%dma_wait3A_54 : memref<64x128xf32, #tpu.memory_space<hbm>>) dst(%arg5 : memref<64x128xf32, #tpu.memory_space<vmem>>)
    %add3A_55 = arith.constant 0 : i32
    %add3A_56 = arith.addi %mul3A_2, %add3A_55 : i32
    %min3A_57 = arith.constant 9998 : i32
    %min3A_58 = arith.minsi %add3A_56, %min3A_57 : i32
    %mul3A_59 = arith.constant 32 : i32
    %mul3A_60 = arith.muli %min3A_58, %mul3A_59 : i32
    %dma_wait3A_61 = arith.constant 0 : i32
    %dma_wait3A_62 = tpu.memref_slice %arg2[%mul3A_60, %dma_wait3A_61] : memref<320000x128xf32, #tpu.memory_space<hbm>> -> memref<64x128xf32, #tpu.memory_space<hbm>>
    %dma_wait3A_63 = arith.constant 0 : i32
    %dma_wait3A_64 = tpu.memref_slice %arg2[%mul3A_60, %dma_wait3A_63] : memref<320000x128xf32, #tpu.memory_space<hbm>> -> memref<64x128xf32, #tpu.memory_space<hbm>>
    tpu.wait_dma2 semaphore(%arg11 : memref<!tpu.dma_semaphore, #tpu.memory_space<semaphore_mem>>) src(%dma_wait3A_64 : memref<64x128xf32, #tpu.memory_space<hbm>>) dst(%arg6 : memref<64x128xf32, #tpu.memory_space<vmem>>)
    "tpu.region"() ({
      %run_scoped3A = tpu.sem_alloc : memref<!tpu.dma_semaphore, #tpu.memory_space<semaphore_mem>>
      %dma_start3A_65 = arith.constant 0 : i32
      %dma_start3A_66 = arith.constant 0 : i32
      %dma_start3A_67 = tpu.memref_slice %arg8[%dma_start3A_65, %dma_start3A_66] : memref<320x128xf32, #tpu.memory_space<vmem>> -> memref<320x128xf32, #tpu.memory_space<vmem>>
      %dma_start3A_68 = arith.constant 0 : i32
      %dma_start3A_69 = tpu.memref_slice %arg3[%mul3A_2, %dma_start3A_68] : memref<10240x128xf32, #tpu.memory_space<hbm>> -> memref<320x128xf32, #tpu.memory_space<hbm>>
      %dma_start3A_70 = arith.constant 0 : i32
      %dma_start3A_71 = tpu.memref_slice %arg3[%mul3A_2, %dma_start3A_70] : memref<10240x128xf32, #tpu.memory_space<hbm>> -> memref<320x128xf32, #tpu.memory_space<hbm>>
      %dma_start3A_72 = arith.constant 0 : i32
      %dma_start3A_73 = arith.constant 0 : i32
      %dma_start3A_74 = tpu.memref_slice %arg8[%dma_start3A_72, %dma_start3A_73] : memref<320x128xf32, #tpu.memory_space<vmem>> -> memref<320x128xf32, #tpu.memory_space<vmem>>
      tpu.enqueue_dma source(%dma_start3A_74 : memref<320x128xf32, #tpu.memory_space<vmem>>) target(%dma_start3A_71 : memref<320x128xf32, #tpu.memory_space<hbm>>) target_semaphore(%run_scoped3A : memref<!tpu.dma_semaphore, #tpu.memory_space<semaphore_mem>>)
      %dma_wait3A_75 = arith.constant 0 : i32
      %dma_wait3A_76 = arith.constant 0 : i32
      %dma_wait3A_77 = tpu.memref_slice %arg8[%dma_wait3A_75, %dma_wait3A_76] : memref<320x128xf32, #tpu.memory_space<vmem>> -> memref<320x128xf32, #tpu.memory_space<vmem>>
      %dma_wait3A_78 = arith.constant 0 : i32
      %dma_wait3A_79 = tpu.memref_slice %arg3[%mul3A_2, %dma_wait3A_78] : memref<10240x128xf32, #tpu.memory_space<hbm>> -> memref<320x128xf32, #tpu.memory_space<hbm>>
      %dma_wait3A_80 = arith.constant 0 : i32
      %dma_wait3A_81 = tpu.memref_slice %arg3[%mul3A_2, %dma_wait3A_80] : memref<10240x128xf32, #tpu.memory_space<hbm>> -> memref<320x128xf32, #tpu.memory_space<hbm>>
      %dma_wait3A_82 = arith.constant 0 : i32
      %dma_wait3A_83 = arith.constant 0 : i32
      %dma_wait3A_84 = tpu.memref_slice %arg8[%dma_wait3A_82, %dma_wait3A_83] : memref<320x128xf32, #tpu.memory_space<vmem>> -> memref<320x128xf32, #tpu.memory_space<vmem>>
      tpu.wait_dma2 semaphore(%run_scoped3A : memref<!tpu.dma_semaphore, #tpu.memory_space<semaphore_mem>>) src(%dma_wait3A_84 : memref<320x128xf32, #tpu.memory_space<vmem>>) dst(%dma_wait3A_81 : memref<320x128xf32, #tpu.memory_space<hbm>>)
      tpu.yield
    }) : () -> ()
    return
  }
}

module attributes {stable_mosaic.version = 14 : i64} {
  func.func @_tc_body(%arg0: i32, %arg1: memref<1000x128xf32, #tpu.memory_space<vmem>>, %arg2: memref<1000x128xf32, #tpu.memory_space<vmem>>, %arg3: memref<128x128xf32, #tpu.memory_space<vmem>>, %arg4: memref<128x128xf32, #tpu.memory_space<vmem>>, %arg5: memref<1x128xf32, #tpu.memory_space<vmem>>, %arg6: memref<1000x128xf32, #tpu.memory_space<vmem>>) attributes {dimension_semantics = [#tpu.dimension_semantics<arbitrary>], iteration_bounds = array<i64: 10>, scalar_prefetch = 0 : i64, scratch_operands = 0 : i64, tpu.core_type = #tpu.core_type<tc>, window_params = [{transform_indices = @transform_0, window_bounds = array<i64: 1000, 128>}, {transform_indices = @transform_1, window_bounds = array<i64: 1000, 128>}, {pipeline_mode = #tpu.pipeline_mode<synchronous>, transform_indices = @transform_2, window_bounds = array<i64: 128, 128>}, {pipeline_mode = #tpu.pipeline_mode<synchronous>, transform_indices = @transform_3, window_bounds = array<i64: 128, 128>}, {pipeline_mode = #tpu.pipeline_mode<synchronous>, transform_indices = @transform_4, window_bounds = array<i64: 1, 128>}, {transform_indices = @transform_5, window_bounds = array<i64: 1000, 128>}]} {
    %get3A = arith.constant 0 : index
    %get3A_0 = arith.constant 0 : index
    %get3A_1 = vector.load %arg1[%get3A, %get3A_0] : memref<1000x128xf32, #tpu.memory_space<vmem>>, vector<1000x128xf32>
    %get3A_2 = arith.constant 0 : index
    %get3A_3 = arith.constant 0 : index
    %get3A_4 = vector.load %arg3[%get3A_2, %get3A_3] : memref<128x128xf32, #tpu.memory_space<vmem>>, vector<128x128xf32>
    %dot_general3A = arith.constant dense<0.000000e+00> : vector<1000x128xf32>
    %dot_general3A_5 = tpu.matmul %get3A_1, %get3A_4, %dot_general3A {dimension_numbers = #tpu.dot_dimension_numbers<[1], [0], [0], [1], [0, 0, 1, 1], [], []>, transpose_lhs_hint = false} : vector<1000x128xf32>, vector<128x128xf32>, vector<1000x128xf32> -> vector<1000x128xf32>
    %get3A_6 = arith.constant 0 : index
    %get3A_7 = arith.constant 0 : index
    %get3A_8 = vector.load %arg2[%get3A_6, %get3A_7] : memref<1000x128xf32, #tpu.memory_space<vmem>>, vector<1000x128xf32>
    %get3A_9 = arith.constant 0 : index
    %get3A_10 = arith.constant 0 : index
    %get3A_11 = vector.load %arg4[%get3A_9, %get3A_10] : memref<128x128xf32, #tpu.memory_space<vmem>>, vector<128x128xf32>
    %dot_general3A_12 = arith.constant dense<0.000000e+00> : vector<1000x128xf32>
    %dot_general3A_13 = tpu.matmul %get3A_8, %get3A_11, %dot_general3A_12 {dimension_numbers = #tpu.dot_dimension_numbers<[1], [0], [0], [1], [0, 0, 1, 1], [], []>, transpose_lhs_hint = false} : vector<1000x128xf32>, vector<128x128xf32>, vector<1000x128xf32> -> vector<1000x128xf32>
    %add3A = arith.addf %dot_general3A_5, %dot_general3A_13 : vector<1000x128xf32>
    %get3A_14 = arith.constant 0 : index
    %get3A_15 = arith.constant 0 : index
    %get3A_16 = vector.load %arg5[%get3A_14, %get3A_15] : memref<1x128xf32, #tpu.memory_space<vmem>>, vector<1x128xf32>
    %add3A_17 = vector.broadcast %get3A_16 : vector<1x128xf32> to vector<1000x128xf32>
    %add3A_18 = arith.addf %add3A, %add3A_17 : vector<1000x128xf32>
    %swap3A = arith.constant 0 : index
    %swap3A_19 = arith.constant 0 : index
    %swap3A_20 = vector.load %arg6[%swap3A, %swap3A_19] : memref<1000x128xf32, #tpu.memory_space<vmem>>, vector<1000x128xf32>
    tpu.vector_store %arg6[%swap3A, %swap3A_19], %add3A_18 {strides = array<i32>} : memref<1000x128xf32, #tpu.memory_space<vmem>>, vector<1000x128xf32>,
    return
  }
  func.func @transform_0(%arg0: i32) -> (i32, i32) {
    %c0_i32 = arith.constant 0 : i32
    %c0_i32_0 = arith.constant 0 : i32
    return %arg0, %c0_i32 : i32, i32
  }
  func.func @transform_1(%arg0: i32) -> (i32, i32) {
    %c0_i32 = arith.constant 0 : i32
    %c0_i32_0 = arith.constant 0 : i32
    return %arg0, %c0_i32 : i32, i32
  }
  func.func @transform_2(%arg0: i32) -> (i32, i32) {
    %c0_i32 = arith.constant 0 : i32
    %c0_i32_0 = arith.constant 0 : i32
    %c0_i32_1 = arith.constant 0 : i32
    return %c0_i32, %c0_i32_0 : i32, i32
  }
  func.func @transform_3(%arg0: i32) -> (i32, i32) {
    %c0_i32 = arith.constant 0 : i32
    %c0_i32_0 = arith.constant 0 : i32
    %c0_i32_1 = arith.constant 0 : i32
    return %c0_i32, %c0_i32_0 : i32, i32
  }
  func.func @transform_4(%arg0: i32) -> (i32, i32) {
    %c0_i32 = arith.constant 0 : i32
    %c0_i32_0 = arith.constant 0 : i32
    %c0_i32_1 = arith.constant 0 : i32
    return %c0_i32, %c0_i32_0 : i32, i32
  }
  func.func @transform_5(%arg0: i32) -> (i32, i32) {
    %c0_i32 = arith.constant 0 : i32
    %c0_i32_0 = arith.constant 0 : i32
    return %arg0, %c0_i32 : i32, i32
  }
}

</mosaic_0001>

<sc_bundles>
// kernel: kernel.4.cloned.1.call-start
scs
__scs_entry_jumppad:
0x0: {  	(pc) =	sbr.rel $0x88, $3  }
0x1: {  	(tag) =	ssettag $0x0;
	lr =	simm.s32 $0x1  }
0x2: {  	[smem:$0x3F9B] =	sst lr;
	_ =	strace $0xD0000000  }
0x3: {  	_ = 	snop  }
0x4: {  	_ = 	snop  }
0x5: {  	_ = 	snop  }
0x6: {  	_ = 	snop  }
0x7: {  	_ = 	snop  }
__scs_overlays_trampoline_lowered:
0x8: {  	[smem:$0x3FAA] =	sst s0  }
0x9: {  	[smem:$0x3FAB] =	sst s1  }
0xa: {  	[smem:$0x3FAC] =	sst s2  }
0xb: {  	[smem:$0x3FAD] =	sst s3  }
0xc: {  	[smem:$0x3FAE] =	sst s4  }
0xd: {  	[smem:$0x3FAF] =	sst s5  }
0xe: {  	[smem:$0x3FB0] =	sst s6  }
0xf: {  	[smem:$0x3FB1] =	sst s7  }
0x10: {  	[smem:$0x3FB2] =	sst s8  }
0x11: {  	[smem:$0x3FB3] =	sst s9;
	s0 =	simm.s32 @!p0 $0x0  }
0x12: {  	s1 =	sld [smem:$0x3F99];
	s0 =	simm.s32 @p0 $0x1  }
0x13: {  	[smem:$0x3FB4] =	sst s0;
	s0 =	simm.s32 @!p1 $0x0  }
0x14: {  	s2 =	sld [smem:$0x3F98];
	s0 =	simm.s32 @p1 $0x1  }
0x15: {  	[smem:$0x3FB5] =	sst s0;
	s0 =	simm.s32 @!p2 $0x0  }
0x16: {  	s3 =	sld [smem:$0x3FDB];
	s0 =	simm.s32 @p2 $0x1  }
0x17: {  	s4 =	simm.s32 $0x1BF5;
	[smem:$0x3FB7] =	sst s0  }
0x18: {  	s0 =	sld [smem:$0x3F9A];
	_ =	swait.ge [sflag:s4], $0x0  }
0x19: {  	s7 =	sld [smem:$0x3F9B]  }
0x1a: {  	s8 =	sadd.s32 $0xFFFFE003, lr  }
0x1b: {  	s9 =	sadd.s32 $0xFFFFFEF7, lr;
	s5 =	simm.s32 $0xFFFFFFFF;
	p2 =	slt.u32 s8, $0xFFFFF086  }
0x1c: {  	p1 =	slt.u32 s9, $0xF7A;
	s5 =	simm.s32 @!p2 $0x0  }
0x1d: {  	s5 =	simm.s32 @p1 $0x1;
	p0 =	seq.s32 s7, s2  }
0x1e: {  	s7 =	smul.u32 @!p0 $0xF7A, s2;
	p2 =	seq.s32 @!p0 s5, $0x0  }
0x1f: {  	s9 =	smul.u32 $0xF7A, s1;
	s8 =	simm.s32 @!p0 $0x1BF5;
	p2 =	por !p2, p0  }
0x20: {  	[sflag:s8] =	ssyncset.s32 @!p0 $0xFFFFF086;
	s6 =	sadd.s32 @!p0 s3, s7;
	s7 =	simm.s32 @!p0 $0x108  }
0x21: {  	s3 =	sadd.s32 s3, s9;
	s6 =	sadd.s32 @!p0 $0x88, s6;
	s7 =	simm.s32 @p2 $0x1082  }
0x22: {  	[simem:s7], [sflag:s8] =	dma.local @!p0 [hbm:s6], $0xF7A  }
0x23: {  	s9 =	sor.u32 $0xD0000000, s2;
	s6 =	simm.s32 $0x108;
	_ =	swait.ge @!p0 [sflag:s8], $0x0  }
0x24: {  	s3 =	sadd.s32 $0x88, s3;
	s6 =	simm.s32 @!p1 $0x1082;
	[sflag:s4] =	ssyncset.s32 $0xFFFFF086  }
0x25: {  	[simem:s6], [sflag:s4] =	dma.local [hbm:s3], $0xF7A  }
0x26: {  	[smem:$0x3F9B] =	sst s1;
	(tag) =	ssettag s2;
	_ =	strace s9  }
0x27: {  	s1 =	sld [smem:$0x3FAB]  }
0x28: {  	s2 =	sld [smem:$0x3FAC]  }
0x29: {  	s4 =	sld [smem:$0x3FAE]  }
0x2a: {  	p0 =	seq.s32 s5, $0x0;
	s5 =	sld [smem:$0x3FAF]  }
0x2b: {  	s6 =	sld [smem:$0x3FB0]  }
0x2c: {  	s7 =	sld [smem:$0x3FB1]  }
0x2d: {  	s3 =	simm.s32 $0x108;
	s8 =	sld [smem:$0x3FB2]  }
0x2e: {  	s3 =	simm.s32 @!p0 $0x1082;
	s9 =	sld [smem:$0x3FB3]  }
0x2f: {  	lr =	sadd.s32 s0, s3;
	s0 =	sld [smem:$0x3FAA]  }
0x30: {  	s3 =	sld [smem:$0x3FAD]  }
0x31: {  	[smem:$0x3FB6] =	sst s10  }
0x32: {  	s10 =	sld [smem:$0x3FB4];
	_ =	sdelay $0x3  }
0x33: {  	p0 =	seq.s32 s10, $0x1;
	s10 =	sld [smem:$0x3FB6];
	_ =	sdelay $0x3  }
0x34: {  	[smem:$0x3FB6] =	sst s10  }
0x35: {  	s10 =	sld [smem:$0x3FB5];
	_ =	sdelay $0x3  }
0x36: {  	p1 =	seq.s32 s10, $0x1;
	s10 =	sld [smem:$0x3FB6];
	_ =	sdelay $0x3  }
0x37: {  	[smem:$0x3FB6] =	sst s10  }
0x38: {  	s10 =	sld [smem:$0x3FB7]  }
0x39: {  	_ = 	snop;
	(pc) =	sbr.ind lr, $3  }
0x3a: {  	_ = 	snop  }
0x3b: {  	_ = 	snop  }
0x3c: {  	p2 =	seq.s32 s10, $0x1;
	s10 =	sld [smem:$0x3FB6]  }
0x3d: {  	_ =	shalt  }
0x3e: {  	_ =	shalt  }
0x3f: {  	_ =	shalt  }
0x40: {  	_ =	shalt  }
0x41: {  	_ =	shalt  }
0x42: {  	_ =	shalt  }
0x43: {  	_ =	shalt  }
0x44: {  	_ =	shalt  }
0x45: {  	_ =	shalt  }
0x46: {  	_ =	shalt  }
0x47: {  	_ =	shalt  }
0x48: {  	_ =	shalt  }
0x49: {  	_ =	shalt  }
0x4a: {  	_ =	shalt  }
0x4b: {  	_ =	shalt  }
0x4c: {  	_ =	shalt  }
0x4d: {  	_ =	shalt  }
0x4e: {  	_ =	shalt  }
0x4f: {  	_ =	shalt  }
0x50: {  	_ =	shalt  }
0x51: {  	_ =	shalt  }
0x52: {  	_ =	shalt  }
0x53: {  	_ =	shalt  }
0x54: {  	_ =	shalt  }
0x55: {  	_ =	shalt  }
0x56: {  	_ =	shalt  }
0x57: {  	_ =	shalt  }
0x58: {  	_ =	shalt  }
0x59: {  	_ =	shalt  }
0x5a: {  	_ =	shalt  }
0x5b: {  	_ =	shalt  }
0x5c: {  	_ =	shalt  }
0x5d: {  	_ =	shalt  }
0x5e: {  	_ =	shalt  }
0x5f: {  	_ =	shalt  }
0x60: {  	_ =	shalt  }
0x61: {  	_ =	shalt  }
0x62: {  	_ =	shalt  }
0x63: {  	_ =	shalt  }
0x64: {  	_ =	shalt  }
0x65: {  	_ =	shalt  }
0x66: {  	_ =	shalt  }
0x67: {  	_ =	shalt  }
0x68: {  	_ =	shalt  }
0x69: {  	_ =	shalt  }
0x6a: {  	_ =	shalt  }
0x6b: {  	_ =	shalt  }
0x6c: {  	_ =	shalt  }
0x6d: {  	_ =	shalt  }
0x6e: {  	_ =	shalt  }
0x6f: {  	_ =	shalt  }
0x70: {  	_ =	shalt  }
0x71: {  	_ =	shalt  }
0x72: {  	_ =	shalt  }
0x73: {  	_ =	shalt  }
0x74: {  	_ =	shalt  }
0x75: {  	_ =	shalt  }
0x76: {  	_ =	shalt  }
0x77: {  	_ =	shalt  }
0x78: {  	_ =	shalt  }
0x79: {  	_ =	shalt  }
0x7a: {  	_ =	shalt  }
0x7b: {  	_ =	shalt  }
0x7c: {  	_ =	shalt  }
0x7d: {  	_ =	shalt  }
0x7e: {  	_ =	shalt  }
0x7f: {  	_ =	shalt  }
0x80: {  	_ =	shalt  }
0x81: {  	_ =	shalt  }
0x82: {  	_ =	shalt  }
0x83: {  	_ =	shalt  }
0x84: {  	_ =	shalt  }
0x85: {  	_ =	shalt  }
0x86: {  	_ =	shalt  }
0x87: {  	_ =	shalt  }
.Lfunc_end0:
.L_simem_size_0:
called_computation_lowered:
.L_overlay_start_0:
0x88: {  	s2 =	sld [smem:$0x3FD9]  }
0x89: {  	s3 =	sld [smem:$0x3FFE];
	_ =	sdelay $0x1  }
0x8a: {  	s1 =	srdreg.scid  }
0x8b: {  	s0 =	sand.u32 $0x1, s1  }
0x8c: {  	s17 =	sshll.u32 s0, $0xA;
	s2 =	sadd.s32 s3, s2  }
0x8d: {  	s2 =	sadd.s32 s2, s17  }
0x8e: {  	[smem:$0x3FC2] =	sst s2  }
0x8f: {  	_ = 	snop  }
0x90: {  	s2 =	sld [smem:$0x3FC8];
	(tm) =	ssettm $0x1  }
0x91: {  	s18 =	sld [smem:$0x3FFB];
	_ =	sdelay $0x3  }
0x92: {  	_ =	strace s18  }
0x93: {  	s3 =	sld [smem:$0x3FFC];
	_ =	sdelay $0x3  }
0x94: {  	_ =	strace s3  }
0x95: {  	s3 =	sld [smem:$0x3FFD];
	_ =	sdelay $0x3  }
0x96: {  	_ =	strace s3  }
0x97: {  	_ =	strace $0x8FFFFFFF  }
0x98: {  	s19 =	sld [smem:$0x3FDB];
	_ =	sdelay $0x1  }
0x99: {  	s4 =	simm.s32 $_scs_section_size  }
0x9a: {  	s5 =	simm.s32 $_size__tile_overlayer_lowered;
	s6 =	simm.s32 $_tile_overlayer_lowered  }
0x9b: {  	s22 =	simm.s32 $0x1BFF;
	s21 =	sshll.u32 s6, $0x1;
	s3 =	sadd.s32 s4, s19  }
0x9c: {  	s7 =	simm.s32 $0x0;
	s20 =	sshll.u32 s5, $0x1;
	s5 =	sadd.s32 s21, s3  }
0x9d: {  	[timem:s7], [sflag:s22] =	dma.local [hbm:s5], s20  }
0x9e: {  	_ =	swait.ge [sflag:s22], s20  }
0x9f: {  	s4 =	ssub.s32 $0x0, s20;
	[sflag:s22] =	ssyncset.done $0x0  }
0xa0: {  	[sflag:s22] =	ssyncadd.s32 s4;
	_ =	sdelay $0x1  }
0xa1: {  	s23 =	simm.s32 $0x1B8B  }
0xa2: {  	_ =	swait.ge [sflag:s23], $0x1  }
0xa3: {  	[sflag:s23] =	ssyncset.done $0x0  }
0xa4: {  	s25 =	simm.s32 $0x1B8E;
	s24 =	sld [smem:$0x3FFE];
	[sflag:s23] =	ssyncadd.s32 $0xFFFFFFFF  }
0xa5: {  	s26 =	simm.s32 $execute0_lowered;
	[smem:$0x3FD2] =	sst s25  }
0xa6: {  	s5 =	sshll.u32 s26, $0x1;
	_ =	strace $0x80000046;
	[dreg:$0x1] =	wrdreg $0xFFFFFFFF  }
0xa7: {  	s28 =	simm.s32 $_size_execute0_lowered;
	s3 =	sadd.s32 s3, s5;
	[dreg:$0x0] =	wrdreg $0x0  }
0xa8: {  	s5 =	sshll.u32 s28, $0x1;
	[dreg:$0x2] =	wrdreg s3  }
0xa9: {  	[dreg:$0x3] =	wrdreg s5  }
0xaa: {  	[dreg:$0x4] =	wrdreg $0xC0  }
0xab: {  	_ =	task [dreg:s7], $0x5FFFF  }
0xac: {  	[dreg:$0x1] =	wrdreg $0xFFFFFFFF  }
0xad: {  	[dreg:$0x0] =	wrdreg $0x60  }
0xae: {  	[dreg:$0x2] =	wrdreg s2  }
0xaf: {  	[dreg:$0x3] =	wrdreg s24  }
0xb0: {  	[dreg:$0x4] =	wrdreg $0x9  }
0xb1: {  	_ =	task.clear_ibuf [dreg:s7], $0x5FFFF;
	_ =	strace $0x90000046  }
0xb2: {  	s29 =	simm.s32 $0x9;
	_ =	strace $0x80000048  }
0xb3: {  	_ =	swait.ge [sflag:s29], $0x1  }
0xb4: {  	[sflag:s29] =	ssyncadd.s32 $0xFFFFFFFF  }
0xb5: {  	_ =	strace $0x90000048  }
0xb6: {  	_ =	sfence  }
0xb7: {  	s30 =	sld [smem:$0x0];
	_ =	sdelay $0x2  }
0xb8: {  	s31 =	sshll.u32 s1, $0xD;
	s1 =	sshrl.u32 s1, $0x2  }
0xb9: {  	s3 =	sand.u32 $0x4000, s31;
	s1 =	sadd.s32 s1, s30  }
0xba: {  	s0 =	sor.u32 s3, s0;
	s1 =	sshll.u32 s1, $0x11  }
0xbb: {  	s0 =	sor.u32 s1, s0  }
0xbc: {  	s0 =	sadd.s32 $0x8F2B, s0  }
0xbd: {  	[sflag:s0] =	ssyncadd.remote.s32 $0x1  }
0xbe: {  	_ =	sfence.sel $0xFFFF  }
0xbf: {  	[dreg:$0x0] =	wrdreg $0xFFFFFFFF;
	(pc) =	sbr.abs _section_cstart, $3  }
0xc0: {  	[dreg:$0x1] =	wrdreg $0xFFFFFFFF  }
0xc1: {  	_ =	task.clear_ibuf [dreg:s7], $0x2FFFF;
	_ =	strace $0x9FFFFFFF  }
0xc2: {  	(tm) =	ssettm $0x7FFFFFFF  }
0xc3: {  	_ =	shalt  }
tec
execute0_lowered:
.L_overlay_start_1:
0x0: {  	(tag) =	ssettag $0x1  }
0x1: {  	s1 =	srdreg.scid;
	s2 =	rddreg [dreg:$0x0]  }
0x2: {  	s0 =	stileid.u32;
	s4 =	rddreg [dreg:$0x1]  }
0x3: {  	s3 =	simm.s32 $0x0;
	s13 =	simm.s32 $0x1;
	s14 =	simm.s32 $0x6000  }
0x4: {  	s15 =	simm.s32 $0x2;
	s16 =	simm.s32 $0x3;
	s17 =	simm.s32 $0x4  }
0x5: {  	s7 =	sand.u32 $0x1, s1;
	s28 =	sshll.u32 s0, $0x1;
	s30 =	smul.u32 $0x280, s0  }
0x6: {  	s18 =	simm.s32 $0x8000;
	s5 =	sor.u32 s7, s28;
	s31 =	smul.u32 $0x140, s7  }
0x7: {  	s19 =	simm.s32 $0x5;
	s20 =	simm.s32 $0x0;
	s6 =	smul.u32 $0x1400, s5  }
0x8: {  	s1 =	rddreg [dreg:$0x2];
	s8 =	ssub.s32 $0x2, s7;
	s9 =	smul.u32 $0x28000, s5  }
0x9: {  	[smem:$0x7FF] =	sst s3;
	s10 =	sshrl.u32 s8, $0x1;
	s11 =	smul.u32 $0x140, s5  }
0xa: {  	_ =	strace $0x80000047;
	s8 =	ssub.s32 s8, s10;
	s10 =	sadd.s32 s31, s30  }
0xb: {  	s12 =	sadd.s32 s6, s4;
	s4 =	sadd.s32 s2, s9;
	s29 =	smin.u32 s11, $0x25D0  }
0xc: {  	s8 =	smax.u32 s8, $0x1;
	s11 =	simm.s32 $0x2000;
	s9 =	sshll.u32 s29, $0x9  }
0xd: {  	s5 =	sadd.s32 $0x400, s4;
	s6 =	sadd.s32 $0x800, s4;
	s9 =	sadd.s32 s2, s9  }
0xe: {  	s7 =	sadd.s32 $0x1000, s12;
	s12 =	simm.s32 $0x4000;
	s9 =	sadd.s32 $0x27C00, s9  }
.LBB2_1:
0xf: {  	[tilespmem:s3], [sflag:$0x1] =	stream.linear.gather [hbm4b:s4+s3], $0x2000, $0x38;
	[tilespmem:$0x12000] =	vst v63  }
0x10: {  	s21 =	sadd.s32 $0xFFFFFEC8, s10  }
0x11: {  	s22 =	sadd.s32 $0x13E, s21  }
0x12: {  	[tilespmem:s11], [sflag:$0x2] =	stream.linear.gather [hbm4b:s5+s3], $0x2000, $0x38;
	[tilespmem:$0x12000] =	vst v63  }
0x13: {  	p0 =	slt.s32 s22, $0x270E  }
0x14: {  	[tilespmem:s12], [sflag:$0x3] =	stream.linear.gather [hbm4b:s6+s3], $0x2000, $0x38;
	[tilespmem:$0x12000] =	vst v63  }
0x15: {  	s23 =	sadd.s32 $0x140, s21;
	s22 =	simm.s32 @!p0 $0x270E;
	_ =	swait.ge [sflag:s13], $0x2000  }
0x16: {  	p0 =	slt.s32 s23, $0x270E;
	s22 =	sshll.u32 s22, $0x9;
	[sflag:s13] =	ssyncset.done $0x0  }
0x17: {  	s23 =	simm.s32 @!p0 $0x270E;
	s22 =	sadd.s32 s2, s22;
	[sflag:s13] =	ssyncadd.s32 $0xFFFFE000  }
0x18: {  	[tilespmem:s14], [sflag:$0x4] =	stream.linear.gather [hbm4b:s22+s3], $0x2000, $0x38;
	[tilespmem:$0x12000] =	vst v63  }
0x19: {  	s23 =	sshll.u32 s23, $0x9;
	_ =	swait.ge [sflag:s15], $0x2000  }
0x1a: {  	s23 =	sadd.s32 s2, s23;
	s22 =	sadd.s32 $0x142, s21;
	[sflag:s15] =	ssyncset.done $0x0  }
0x1b: {  	s21 =	sadd.s32 $0x144, s21;
	p0 =	slt.s32 s22, $0x270E;
	[sflag:s15] =	ssyncadd.s32 $0xFFFFE000  }
0x1c: {  	[tilespmem:s3], [sflag:$0x1] =	stream.linear.gather [hbm4b:s23+s3], $0x2000, $0x38;
	[tilespmem:$0x12000] =	vst v63  }
0x1d: {  	s22 =	simm.s32 @!p0 $0x270E;
	p0 =	slt.s32 s21, $0x270E;
	_ =	swait.ge [sflag:s16], $0x2000  }
0x1e: {  	s22 =	sshll.u32 s22, $0x9;
	s21 =	simm.s32 @!p0 $0x270E;
	[sflag:s16] =	ssyncset.done $0x0  }
0x1f: {  	s22 =	sadd.s32 s2, s22;
	s21 =	sshll.u32 s21, $0x9;
	[sflag:s16] =	ssyncadd.s32 $0xFFFFE000  }
0x20: {  	[tilespmem:s11], [sflag:$0x2] =	stream.linear.gather [hbm4b:s22+s3], $0x2000, $0x38;
	[tilespmem:$0x12000] =	vst v63  }
0x21: {  	s23 =	sadd.s32 s2, s21;
	s21 =	sadd.s32 $0xFFFFFED0, s10;
	s22 =	simm.s32 $0xFFFFFED8  }
.LBB2_2:
0x22: {  	s24 =	sadd.s32 $0x13E, s21  }
0x23: {  	s25 =	sadd.s32 $0x140, s21;
	s26 =	sadd.s32 $0x142, s21;
	s28 =	smov.u32 s22  }
0x24: {  	p0 =	slt.s32 s24, $0x270E;
	p1 =	slt.s32 s25, $0x270E;
	_ =	swait.ge [sflag:s17], $0x2000  }
0x25: {  	s24 =	simm.s32 @!p0 $0x270E;
	s25 =	simm.s32 @!p1 $0x270E;
	[sflag:s17] =	ssyncset.done $0x0  }
0x26: {  	s24 =	sshll.u32 s24, $0x9;
	s25 =	sshll.u32 s25, $0x9;
	[sflag:s17] =	ssyncadd.s32 $0xFFFFE000  }
0x27: {  	[tilespmem:s12], [sflag:$0x3] =	stream.linear.gather [hbm4b:s23+s3], $0x2000, $0x38;
	[tilespmem:$0x12000] =	vst v63  }
0x28: {  	s21 =	sadd.s32 $0x144, s21;
	p0 =	slt.s32 s26, $0x270E;
	_ =	swait.ge [sflag:s13], $0x2000  }
0x29: {  	s26 =	simm.s32 @!p0 $0x270E;
	p0 =	slt.s32 s21, $0x270E;
	[sflag:s13] =	ssyncset.done $0x0  }
0x2a: {  	s23 =	sadd.s32 s2, s24;
	s24 =	sshll.u32 s26, $0x9;
	[sflag:s13] =	ssyncadd.s32 $0xFFFFE000  }
0x2b: {  	[tilespmem:s14], [sflag:$0x4] =	stream.linear.gather [hbm4b:s23+s3], $0x2000, $0x38;
	[tilespmem:$0x12000] =	vst v63  }
0x2c: {  	s26 =	sadd.s32 $0x8, s22;
	s21 =	simm.s32 @!p0 $0x270E;
	_ =	swait.ge [sflag:s15], $0x2000  }
0x2d: {  	p0 =	sne.s32 s22, $0xFFFFFFF8;
	s21 =	sshll.u32 s21, $0x9;
	[sflag:s15] =	ssyncset.done $0x0  }
0x2e: {  	s22 =	sadd.s32 s2, s25;
	[sflag:s15] =	ssyncadd.s32 $0xFFFFE000  }
0x2f: {  	[tilespmem:s3], [sflag:$0x1] =	stream.linear.gather [hbm4b:s22+s3], $0x2000, $0x38;
	[tilespmem:$0x12000] =	vst v63  }
.Ltmp0:
0x30: {  	_ =	swait.ge [sflag:s16], $0x2000;
	(pc) =	sbr.rel @p0 .LBB2_2-.Ltmp0, $4  }
0x31: {  	s23 =	sadd.s32 s2, s21;
	[sflag:s16] =	ssyncset.done $0x0  }
0x32: {  	s21 =	sadd.s32 s28, s10;
	s22 =	sadd.s32 s2, s24;
	[sflag:s16] =	ssyncadd.s32 $0xFFFFE000  }
0x33: {  	[tilespmem:s11], [sflag:$0x2] =	stream.linear.gather [hbm4b:s22+s3], $0x2000, $0x38;
	[tilespmem:$0x12000] =	vst v63  }
0x34: {  	s22 =	smov.u32 s26  }
0x35: {  	_ =	swait.ge [sflag:s17], $0x2000  }
0x36: {  	s22 =	sadd.s32 $0x13E, s21;
	[sflag:s17] =	ssyncset.done $0x0  }
0x37: {  	p0 =	slt.s32 s22, $0x270E;
	[sflag:s17] =	ssyncadd.s32 $0xFFFFE000  }
0x38: {  	[tilespmem:s12], [sflag:$0x3] =	stream.linear.gather [hbm4b:s23+s3], $0x2000, $0x38;
	[tilespmem:$0x12000] =	vst v63  }
0x39: {  	s22 =	simm.s32 @!p0 $0x270E;
	_ =	swait.ge [sflag:s13], $0x2000  }
0x3a: {  	s23 =	sadd.s32 $0x140, s21;
	s22 =	sshll.u32 s22, $0x9;
	[sflag:s13] =	ssyncset.done $0x0  }
0x3b: {  	p0 =	slt.s32 s23, $0x270E;
	s22 =	sadd.s32 s2, s22;
	[sflag:s13] =	ssyncadd.s32 $0xFFFFE000  }
0x3c: {  	[tilespmem:s14], [sflag:$0x4] =	stream.linear.gather [hbm4b:s22+s3], $0x2000, $0x38;
	[tilespmem:$0x12000] =	vst v63  }
0x3d: {  	s23 =	simm.s32 @!p0 $0x270E;
	_ =	swait.ge [sflag:s15], $0x2000  }
0x3e: {  	s23 =	sshll.u32 s23, $0x9;
	s22 =	sadd.s32 $0x142, s21;
	[sflag:s15] =	ssyncset.done $0x0  }
0x3f: {  	s23 =	sadd.s32 s2, s23;
	p0 =	slt.s32 s22, $0x270E;
	[sflag:s15] =	ssyncadd.s32 $0xFFFFE000  }
0x40: {  	[tilespmem:s3], [sflag:$0x1] =	stream.linear.gather [hbm4b:s23+s3], $0x2000, $0x38;
	[tilespmem:$0x12000] =	vst v63  }
0x41: {  	s22 =	simm.s32 @!p0 $0x270E;
	_ =	swait.ge [sflag:s16], $0x2000  }
0x42: {  	s21 =	sadd.s32 $0x144, s21;
	s22 =	sshll.u32 s22, $0x9;
	[sflag:s16] =	ssyncset.done $0x0  }
0x43: {  	p0 =	slt.s32 s21, $0x270E;
	s22 =	sadd.s32 s2, s22;
	[sflag:s16] =	ssyncadd.s32 $0xFFFFE000  }
0x44: {  	[tilespmem:s11], [sflag:$0x2] =	stream.linear.gather [hbm4b:s22+s3], $0x2000, $0x38;
	[tilespmem:$0x12000] =	vst v63  }
0x45: {  	s21 =	simm.s32 @!p0 $0x270E;
	_ =	swait.ge [sflag:s17], $0x2000  }
0x46: {  	s21 =	sshll.u32 s21, $0x9;
	[sflag:s17] =	ssyncset.done $0x0  }
0x47: {  	s21 =	sadd.s32 s2, s21;
	[sflag:s17] =	ssyncadd.s32 $0xFFFFE000  }
0x48: {  	[tilespmem:s12], [sflag:$0x3] =	stream.linear.gather [hbm4b:s21+s3], $0x2000, $0x38;
	[tilespmem:$0x12000] =	vst v63  }
0x49: {  	_ =	swait.ge [sflag:s13], $0x2000  }
0x4a: {  	[sflag:s13] =	ssyncset.done $0x0  }
0x4b: {  	[sflag:s13] =	ssyncadd.s32 $0xFFFFE000  }
0x4c: {  	[tilespmem:s14], [sflag:$0x4] =	stream.linear.gather [hbm4b:s9+s3], $0x2000, $0x38;
	[tilespmem:$0x12000] =	vst v63  }
0x4d: {  	_ =	swait.ge [sflag:s15], $0x2000  }
0x4e: {  	[sflag:s15] =	ssyncset.done $0x0  }
0x4f: {  	[sflag:s15] =	ssyncadd.s32 $0xFFFFE000  }
0x50: {  	[tilespmem:s3], [sflag:$0x1] =	stream.linear.gather [hbm4b:s9+s3], $0x2000, $0x38;
	[tilespmem:$0x12000] =	vst v63  }
0x51: {  	_ =	swait.ge [sflag:s16], $0x2000  }
0x52: {  	[sflag:s16] =	ssyncset.done $0x0  }
0x53: {  	[sflag:s16] =	ssyncadd.s32 $0xFFFFE000  }
0x54: {  	[tilespmem:s11], [sflag:$0x2] =	stream.linear.gather [hbm4b:s9+s3], $0x2000, $0x38;
	[tilespmem:$0x12000] =	vst v63  }
0x55: {  	_ =	swait.ge [sflag:s17], $0x2000  }
0x56: {  	[sflag:s17] =	ssyncset.done $0x0  }
0x57: {  	[sflag:s17] =	ssyncadd.s32 $0xFFFFE000  }
0x58: {  	[tilespmem:s12], [sflag:$0x3] =	stream.linear.gather [hbm4b:s9+s3], $0x2000, $0x38;
	[tilespmem:$0x12000] =	vst v63  }
0x59: {  	_ =	swait.ge [sflag:s13], $0x2000  }
0x5a: {  	[sflag:s13] =	ssyncset.done $0x0  }
0x5b: {  	[sflag:s13] =	ssyncadd.s32 $0xFFFFE000  }
0x5c: {  	_ =	swait.ge [sflag:s15], $0x2000  }
0x5d: {  	[sflag:s15] =	ssyncset.done $0x0  }
0x5e: {  	[sflag:s15] =	ssyncadd.s32 $0xFFFFE000  }
0x5f: {  	s20 =	sadd.s32 $0x1, s20;
	_ =	swait.ge [sflag:s16], $0x2000  }
0x60: {  	p0 =	sne.s32 s20, s8;
	[sflag:s16] =	ssyncset.done $0x0  }
.Ltmp1:
0x61: {  	[sflag:s16] =	ssyncadd.s32 $0xFFFFE000;
	(pc) =	sbr.rel @p0 .LBB2_1-.Ltmp1, $4  }
0x62: {  	[hbm4b:s7+s3] =	stream.linear.scatter [tilespmem:s18], [sflag:$0x5], $0xA000, $0x38;
	[tilespmem:$0x12000] =	vst v63  }
0x63: {  	_ =	swait.ge [sflag:s19], $0xA000  }
0x64: {  	[sflag:s19] =	ssyncset.done $0x0  }
0x65: {  	[sflag:s19] =	ssyncadd.s32 $0xFFFF6000  }
0x66: {  	_ =	sfence.sel $0x180000  }
0x67: {  	[bflag:$0x0] =	sbarrier.arrive $0xFFFF  }
0x68: {  	p0 =	sne.s32 s0, $0x0;
	_ =	strace $0x90000047  }
0x69: {  	s0 =	sadd.s32 @!p0 $0x100000, s1;
	[bflag:$0x2] =	sbarrier.arrive $0xFFFF  }
0x6a: {  	[sflag:s0] =	ssyncadd.tile.s32 @!p0 $0x1;
	_ =	shalt  }
.Lfunc_end2:
_tile_overlayer_lowered:
.L_overlay_start_2:
0x6b: {  	(tag) =	ssettag $0x2  }
0x6c: {  	s0 =	rddreg [dreg:$0x0];
	s2 =	stileid.u32  }
0x6d: {  	s1 =	rddreg [dreg:$0x1];
	p0 =	sne.s32 s2, $0x0  }
0x6e: {  	s3 =	rddreg [dreg:$0x2];
	[bflag:$0x3] =	sbarrier.arrive $0xFFFF;
	s2 =	simm.s32 @!p0 $0x1C05  }
0x6f: {  	[timem:s3], [sflag:s2] =	dma.local @!p0 [hbm:s0], s1  }
0x70: {  	s0 =	simm.s32 @!p0 $0x5  }
0x71: {  	_ =	swait.ge @!p0 [sflag:s0], s1  }
0x72: {  	s1 =	ssub.s32 @!p0 $0x0, s1;
	[sflag:s0] =	ssyncset.done @!p0 $0x0  }
0x73: {  	[sflag:s0] =	ssyncadd.s32 @!p0 s1  }
0x74: {  	[bflag:$0x3] =	sbarrier.arrive $0xFFFF  }
0x75: {  	_ =	shalt  }

</sc_bundles>
